<compile_context>
chip_gen: v7x
topology: tpu7x:2x2x1
jax: 0.10.2.dev20260603
libtpu: 0.0.44.dev20260713+nightly
codegen_flags: <defaults>
</compile_context>

<pallas_src>
import functools

import jax
import jax.numpy as jnp
from jax import lax
from jax.experimental import pallas as pl
from jax.experimental.pallas import tpu as pltpu
from jax.experimental.pallas import tpu_sc as plsc

_LANES = 16


def _sc_mul_kernel(n_positions: int, d: int, chunk: int):
    info = plsc.get_sparse_core_info()
    nw = info.num_cores * info.num_subcores
    per_worker = n_positions // nw
    n_rounds = per_worker // chunk
    assert per_worker % chunk == 0
    assert d % _LANES == 0
    assert chunk <= 128

    mesh = plsc.VectorSubcoreMesh(core_axis_name="c", subcore_axis_name="s")

    @functools.partial(
        pl.kernel,
        mesh=mesh,
        out_type=jax.ShapeDtypeStruct((n_positions, d), jnp.float32),
        scratch_types=[
            pltpu.VMEM_SHARED((64, d), jnp.float32),
            pltpu.VMEM((chunk,), jnp.int32),
            pltpu.VMEM((chunk, d), jnp.float32),
            pltpu.VMEM((chunk, d), jnp.float32),
            pltpu.VMEM((chunk, d), jnp.float32),
            pltpu.SemaphoreType.DMA,
        ],
    )
    def k(x1_hbm, x2_hbm, table_hbm, out_hbm, tab_v, idx_v, x2_v, rows_v,
          out_v, sem):
        wid = lax.axis_index("s") * info.num_cores + lax.axis_index("c")
        @pl.when(lax.axis_index("s") == 0)
        def _copy_table():
            pltpu.sync_copy(table_hbm, tab_v)

        plsc.subcore_barrier()

        def round_body(r, carry):
            base = wid * per_worker + r * chunk
            pltpu.sync_copy(x1_hbm.at[pl.ds(base, chunk)], idx_v)
            gcp = pltpu.async_copy(tab_v.at[idx_v], rows_v, sem)
            pltpu.sync_copy(x2_hbm.at[pl.ds(base, chunk)], x2_v)
            gcp.wait()

            def pos_body(p, c2):
                for j in range(d // _LANES):
                    sl = pl.ds(j * _LANES, _LANES)
                    out_v[p, sl] = rows_v[p, sl] * x2_v[p, sl]
                return c2

            lax.fori_loop(0, chunk, pos_body, 0)
            pltpu.sync_copy(out_v, out_hbm.at[pl.ds(base, chunk)])
            return carry

        lax.fori_loop(0, n_rounds, round_body, 0)

    return k


def kernel(x1, x2, table):
    b, l, d = x2.shape
    n = b * l
    x1f = x1.reshape(n).astype(jnp.int32)
    x2f = x2.reshape(n, d)
    out = _sc_mul_kernel(n, d, chunk=128)(x1f, x2f, table)
    return out.reshape(b, l, d)

# --- scband reference (transcript-rebuilt; emitter-appended) ---
"""Pipeline reference for scband-model-11879879542847 (READ-ONLY COPY).

The authoritative reference and input builder live on the scoring server;
editing this copy changes nothing except your own understanding.
"""

import jax, jax.numpy as jnp
import numpy as np


def setup_inputs(seed: int = 0) -> dict:
    key = jax.random.key(seed)
    k1, k2, k3 = jax.random.split(key, 3)
    x1 = jax.random.randint(k1, (4096, 200), 0, 64, dtype=jnp.int64)
    x2 = jax.random.normal(k2, (4096, 200, 128), dtype=jnp.float32)
    table = jax.random.normal(k3, (64, 128), dtype=jnp.float32) * 0.05
    return {"x1": x1, "x2": x2, "table": table}


def reference(x1, x2, table):
    # Embedding lookup (gather) followed by elementwise multiply, as in the
    # original Keras model: self.embedding(x1) * x2
    emb = jnp.take(table, x1, axis=0)  # [B, L, 128]
    return emb * x2

if __name__ == "__main__":
    import jax
    _d = setup_inputs()
    print(jax.jit(kernel)(*tuple(_d.values())))

</pallas_src>

<mosaic_0001>
#map = affine_map<(d0, d1) -> (0)>
#map1 = affine_map<(d0, d1) -> (0, 0)>
module attributes {stable_mosaic.version = 14 : i64} {
  func.func @k(%arg0: i32, %arg1: i32, %arg2: memref<819200xi32, #tpu.memory_space<hbm>>, %arg3: memref<819200x128xf32, #tpu.memory_space<hbm>>, %arg4: memref<64x128xf32, #tpu.memory_space<hbm>>, %arg5: memref<819200x128xf32, #tpu.memory_space<hbm>>, %arg6: memref<64x128xf32, #tpu.memory_space<vmem_shared>>, %arg7: memref<128xi32, #tpu.memory_space<vmem>>, %arg8: memref<128x128xf32, #tpu.memory_space<vmem>>, %arg9: memref<128x128xf32, #tpu.memory_space<vmem>>, %arg10: memref<128x128xf32, #tpu.memory_space<vmem>>, %arg11: memref<!tpu.dma_semaphore, #tpu.memory_space<semaphore_mem>>) attributes {dimension_semantics = [#tpu.dimension_semantics<core_parallel>, #tpu.dimension_semantics<subcore_parallel>], iteration_bounds = array<i64: 2, 16>, scalar_prefetch = 0 : i64, scratch_operands = 6 : i64, tpu.core_type = #tpu.core_type<sc_vector_subcore>, window_params = [{transform_indices = #map}, {transform_indices = #map1}, {transform_indices = #map1}, {transform_indices = #map1}]} {
    %mul3A = arith.constant 2 : i32
    %mul3A_0 = arith.muli %arg1, %mul3A : i32
    %add3A = arith.addi %mul3A_0, %arg0 : i32
    %eq3A = arith.constant 0 : i32
    %eq3A_1 = arith.cmpi eq, %arg1, %eq3A : i32
    %convert_element_type3A = arith.extui %eq3A_1 : i1 to i32
    %cond3A = arith.constant 0 : i32
    %cond3A_2 = arith.cmpi ne, %convert_element_type3A, %cond3A : i32
    scf.if %cond3A_2 {
      "tpu.region"() ({
        %run_scoped3A = tpu.sem_alloc : memref<!tpu.dma_semaphore, #tpu.memory_space<semaphore_mem>>
        tpu.enqueue_dma source(%arg4 : memref<64x128xf32, #tpu.memory_space<hbm>>) target(%arg6 : memref<64x128xf32, #tpu.memory_space<vmem_shared>>) target_semaphore(%run_scoped3A : memref<!tpu.dma_semaphore, #tpu.memory_space<semaphore_mem>>)
        tpu.wait_dma2 semaphore(%run_scoped3A : memref<!tpu.dma_semaphore, #tpu.memory_space<semaphore_mem>>) src(%arg4 : memref<64x128xf32, #tpu.memory_space<hbm>>) dst(%arg6 : memref<64x128xf32, #tpu.memory_space<vmem_shared>>)
        tpu.yield
      }) : () -> ()
    } else {
    }
    %barrier3A = arith.constant 0 : index
    tpu.barrier barrier_id(%barrier3A)
    %scan3A = arith.constant 0 : i32
    %scan3A_3 = arith.constant 0 : i32
    %scan3A_4 = arith.constant 200 : i32
    %scan3A_5 = arith.addi %scan3A_3, %scan3A_4 : i32
    %scan3A_6 = arith.constant 1 : i32
    scf.for %scan3A_8 = %scan3A_3 to %scan3A_5 step %scan3A_6  : i32 {
      %mul3A_9 = arith.constant 25600 : i32
      %mul3A_10 = arith.muli %add3A, %mul3A_9 : i32
      %mul3A_11 = arith.constant 128 : i32
      %mul3A_12 = arith.muli %scan3A_8, %mul3A_11 : i32
      %add3A_13 = arith.addi %mul3A_10, %mul3A_12 : i32
      "tpu.region"() ({
        %run_scoped3A = tpu.sem_alloc : memref<!tpu.dma_semaphore, #tpu.memory_space<semaphore_mem>>
        %dma_start3A_24 = tpu.memref_slice %arg2[%add3A_13] : memref<819200xi32, #tpu.memory_space<hbm>> -> memref<128xi32, #tpu.memory_space<hbm>>
        %dma_start3A_25 = tpu.memref_slice %arg2[%add3A_13] : memref<819200xi32, #tpu.memory_space<hbm>> -> memref<128xi32, #tpu.memory_space<hbm>>
        tpu.enqueue_dma source(%dma_start3A_25 : memref<128xi32, #tpu.memory_space<hbm>>) target(%arg7 : memref<128xi32, #tpu.memory_space<vmem>>) target_semaphore(%run_scoped3A : memref<!tpu.dma_semaphore, #tpu.memory_space<semaphore_mem>>)
        %dma_wait3A_26 = tpu.memref_slice %arg2[%add3A_13] : memref<819200xi32, #tpu.memory_space<hbm>> -> memref<128xi32, #tpu.memory_space<hbm>>
        %dma_wait3A_27 = tpu.memref_slice %arg2[%add3A_13] : memref<819200xi32, #tpu.memory_space<hbm>> -> memref<128xi32, #tpu.memory_space<hbm>>
        tpu.wait_dma2 semaphore(%run_scoped3A : memref<!tpu.dma_semaphore, #tpu.memory_space<semaphore_mem>>) src(%dma_wait3A_27 : memref<128xi32, #tpu.memory_space<hbm>>) dst(%arg7 : memref<128xi32, #tpu.memory_space<vmem>>)
        tpu.yield
      }) : () -> ()
      %dma_start3A = arith.constant 0 : i32
      %dma_start3A_14 = arith.constant 0 : i32
      %dma_start3A_15 = tpu.memref_slice %arg6[%dma_start3A, %dma_start3A_14] : memref<64x128xf32, #tpu.memory_space<vmem_shared>> -> memref<64x128xf32, #tpu.memory_space<vmem_shared>>
      tpu.enqueue_indirect_dma source(%dma_start3A_15 : memref<64x128xf32, #tpu.memory_space<vmem_shared>>) target(%arg9 : memref<128x128xf32, #tpu.memory_space<vmem>>) offsets(%arg7 : memref<128xi32, #tpu.memory_space<vmem>>) semaphore(%arg11 : memref<!tpu.dma_semaphore, #tpu.memory_space<semaphore_mem>>)
      "tpu.region"() ({
        %run_scoped3A = tpu.sem_alloc : memref<!tpu.dma_semaphore, #tpu.memory_space<semaphore_mem>>
        %dma_start3A_24 = arith.constant 0 : i32
        %dma_start3A_25 = tpu.memref_slice %arg3[%add3A_13, %dma_start3A_24] : memref<819200x128xf32, #tpu.memory_space<hbm>> -> memref<128x128xf32, #tpu.memory_space<hbm>>
        %dma_start3A_26 = arith.constant 0 : i32
        %dma_start3A_27 = tpu.memref_slice %arg3[%add3A_13, %dma_start3A_26] : memref<819200x128xf32, #tpu.memory_space<hbm>> -> memref<128x128xf32, #tpu.memory_space<hbm>>
        tpu.enqueue_dma source(%dma_start3A_27 : memref<128x128xf32, #tpu.memory_space<hbm>>) target(%arg8 : memref<128x128xf32, #tpu.memory_space<vmem>>) target_semaphore(%run_scoped3A : memref<!tpu.dma_semaphore, #tpu.memory_space<semaphore_mem>>)
        %dma_wait3A_28 = arith.constant 0 : i32
        %dma_wait3A_29 = tpu.memref_slice %arg3[%add3A_13, %dma_wait3A_28] : memref<819200x128xf32, #tpu.memory_space<hbm>> -> memref<128x128xf32, #tpu.memory_space<hbm>>
        %dma_wait3A_30 = arith.constant 0 : i32
        %dma_wait3A_31 = tpu.memref_slice %arg3[%add3A_13, %dma_wait3A_30] : memref<819200x128xf32, #tpu.memory_space<hbm>> -> memref<128x128xf32, #tpu.memory_space<hbm>>
        tpu.wait_dma2 semaphore(%run_scoped3A : memref<!tpu.dma_semaphore, #tpu.memory_space<semaphore_mem>>) src(%dma_wait3A_31 : memref<128x128xf32, #tpu.memory_space<hbm>>) dst(%arg8 : memref<128x128xf32, #tpu.memory_space<vmem>>)
        tpu.yield
      }) : () -> ()
      %dma_wait3A = arith.constant 0 : i32
      %dma_wait3A_16 = arith.constant 0 : i32
      %dma_wait3A_17 = tpu.memref_slice %arg6[%dma_wait3A, %dma_wait3A_16] : memref<64x128xf32, #tpu.memory_space<vmem_shared>> -> memref<64x128xf32, #tpu.memory_space<vmem_shared>>
      tpu.wait_indirect_dma semaphore(%arg11 : memref<!tpu.dma_semaphore, #tpu.memory_space<semaphore_mem>>) src(%dma_wait3A_17 : memref<64x128xf32, #tpu.memory_space<vmem_shared>>) dst(%arg9 : memref<128x128xf32, #tpu.memory_space<vmem>>)
      %scan3A_18 = arith.constant 0 : i32
      %scan3A_19 = arith.constant 0 : i32
      %scan3A_20 = arith.constant 128 : i32
      %scan3A_21 = arith.addi %scan3A_19, %scan3A_20 : i32
      %scan3A_22 = arith.constant 1 : i32
      scf.for %scan3A_24 = %scan3A_19 to %scan3A_21 step %scan3A_22  : i32 {
        %get3A = arith.index_cast %scan3A_24 : i32 to index
        %get3A_25 = arith.constant 0 : index
        %get3A_26 = tpu.vector_load %arg9[%get3A, %get3A_25] {strides = array<i32>} : memref<128x128xf32, #tpu.memory_space<vmem>>, vector<1x16xf32>,
        %get3A_27 = vector.shape_cast %get3A_26 : vector<1x16xf32> to vector<16xf32>
        %get3A_28 = arith.index_cast %scan3A_24 : i32 to index
        %get3A_29 = arith.constant 0 : index
        %get3A_30 = tpu.vector_load %arg8[%get3A_28, %get3A_29] {strides = array<i32>} : memref<128x128xf32, #tpu.memory_space<vmem>>, vector<1x16xf32>,
        %get3A_31 = vector.shape_cast %get3A_30 : vector<1x16xf32> to vector<16xf32>
        %mul3A_32 = arith.mulf %get3A_27, %get3A_31 : vector<16xf32>
        %swap3A = arith.index_cast %scan3A_24 : i32 to index
        %swap3A_33 = arith.constant 0 : index
        %swap3A_34 = tpu.vector_load %arg10[%swap3A, %swap3A_33] {strides = array<i32>} : memref<128x128xf32, #tpu.memory_space<vmem>>, vector<1x16xf32>,
        %swap3A_35 = vector.shape_cast %swap3A_34 : vector<1x16xf32> to vector<16xf32>
        %swap3A_36 = vector.shape_cast %mul3A_32 : vector<16xf32> to vector<1x16xf32>
        tpu.vector_store %arg10[%swap3A, %swap3A_33], %swap3A_36 {strides = array<i32>} : memref<128x128xf32, #tpu.memory_space<vmem>>, vector<1x16xf32>,
        %get3A_37 = arith.index_cast %scan3A_24 : i32 to index
        %get3A_38 = arith.constant 16 : index
        %get3A_39 = tpu.vector_load %arg9[%get3A_37, %get3A_38] {strides = array<i32>} : memref<128x128xf32, #tpu.memory_space<vmem>>, vector<1x16xf32>,
        %get3A_40 = vector.shape_cast %get3A_39 : vector<1x16xf32> to vector<16xf32>
        %get3A_41 = arith.index_cast %scan3A_24 : i32 to index
        %get3A_42 = arith.constant 16 : index
        %get3A_43 = tpu.vector_load %arg8[%get3A_41, %get3A_42] {strides = array<i32>} : memref<128x128xf32, #tpu.memory_space<vmem>>, vector<1x16xf32>,
        %get3A_44 = vector.shape_cast %get3A_43 : vector<1x16xf32> to vector<16xf32>
        %mul3A_45 = arith.mulf %get3A_40, %get3A_44 : vector<16xf32>
        %swap3A_46 = arith.index_cast %scan3A_24 : i32 to index
        %swap3A_47 = arith.constant 16 : index
        %swap3A_48 = tpu.vector_load %arg10[%swap3A_46, %swap3A_47] {strides = array<i32>} : memref<128x128xf32, #tpu.memory_space<vmem>>, vector<1x16xf32>,
        %swap3A_49 = vector.shape_cast %swap3A_48 : vector<1x16xf32> to vector<16xf32>
        %swap3A_50 = vector.shape_cast %mul3A_45 : vector<16xf32> to vector<1x16xf32>
        tpu.vector_store %arg10[%swap3A_46, %swap3A_47], %swap3A_50 {strides = array<i32>} : memref<128x128xf32, #tpu.memory_space<vmem>>, vector<1x16xf32>,
        %get3A_51 = arith.index_cast %scan3A_24 : i32 to index
        %get3A_52 = arith.constant 32 : index
        %get3A_53 = tpu.vector_load %arg9[%get3A_51, %get3A_52] {strides = array<i32>} : memref<128x128xf32, #tpu.memory_space<vmem>>, vector<1x16xf32>,
        %get3A_54 = vector.shape_cast %get3A_53 : vector<1x16xf32> to vector<16xf32>
        %get3A_55 = arith.index_cast %scan3A_24 : i32 to index
        %get3A_56 = arith.constant 32 : index
        %get3A_57 = tpu.vector_load %arg8[%get3A_55, %get3A_56] {strides = array<i32>} : memref<128x128xf32, #tpu.memory_space<vmem>>, vector<1x16xf32>,
        %get3A_58 = vector.shape_cast %get3A_57 : vector<1x16xf32> to vector<16xf32>
        %mul3A_59 = arith.mulf %get3A_54, %get3A_58 : vector<16xf32>
        %swap3A_60 = arith.index_cast %scan3A_24 : i32 to index
        %swap3A_61 = arith.constant 32 : index
        %swap3A_62 = tpu.vector_load %arg10[%swap3A_60, %swap3A_61] {strides = array<i32>} : memref<128x128xf32, #tpu.memory_space<vmem>>, vector<1x16xf32>,
        %swap3A_63 = vector.shape_cast %swap3A_62 : vector<1x16xf32> to vector<16xf32>
        %swap3A_64 = vector.shape_cast %mul3A_59 : vector<16xf32> to vector<1x16xf32>
        tpu.vector_store %arg10[%swap3A_60, %swap3A_61], %swap3A_64 {strides = array<i32>} : memref<128x128xf32, #tpu.memory_space<vmem>>, vector<1x16xf32>,
        %get3A_65 = arith.index_cast %scan3A_24 : i32 to index
        %get3A_66 = arith.constant 48 : index
        %get3A_67 = tpu.vector_load %arg9[%get3A_65, %get3A_66] {strides = array<i32>} : memref<128x128xf32, #tpu.memory_space<vmem>>, vector<1x16xf32>,
        %get3A_68 = vector.shape_cast %get3A_67 : vector<1x16xf32> to vector<16xf32>
        %get3A_69 = arith.index_cast %scan3A_24 : i32 to index
        %get3A_70 = arith.constant 48 : index
        %get3A_71 = tpu.vector_load %arg8[%get3A_69, %get3A_70] {strides = array<i32>} : memref<128x128xf32, #tpu.memory_space<vmem>>, vector<1x16xf32>,
        %get3A_72 = vector.shape_cast %get3A_71 : vector<1x16xf32> to vector<16xf32>
        %mul3A_73 = arith.mulf %get3A_68, %get3A_72 : vector<16xf32>
        %swap3A_74 = arith.index_cast %scan3A_24 : i32 to index
        %swap3A_75 = arith.constant 48 : index
        %swap3A_76 = tpu.vector_load %arg10[%swap3A_74, %swap3A_75] {strides = array<i32>} : memref<128x128xf32, #tpu.memory_space<vmem>>, vector<1x16xf32>,
        %swap3A_77 = vector.shape_cast %swap3A_76 : vector<1x16xf32> to vector<16xf32>
        %swap3A_78 = vector.shape_cast %mul3A_73 : vector<16xf32> to vector<1x16xf32>
        tpu.vector_store %arg10[%swap3A_74, %swap3A_75], %swap3A_78 {strides = array<i32>} : memref<128x128xf32, #tpu.memory_space<vmem>>, vector<1x16xf32>,
        %get3A_79 = arith.index_cast %scan3A_24 : i32 to index
        %get3A_80 = arith.constant 64 : index
        %get3A_81 = tpu.vector_load %arg9[%get3A_79, %get3A_80] {strides = array<i32>} : memref<128x128xf32, #tpu.memory_space<vmem>>, vector<1x16xf32>,
        %get3A_82 = vector.shape_cast %get3A_81 : vector<1x16xf32> to vector<16xf32>
        %get3A_83 = arith.index_cast %scan3A_24 : i32 to index
        %get3A_84 = arith.constant 64 : index
        %get3A_85 = tpu.vector_load %arg8[%get3A_83, %get3A_84] {strides = array<i32>} : memref<128x128xf32, #tpu.memory_space<vmem>>, vector<1x16xf32>,
        %get3A_86 = vector.shape_cast %get3A_85 : vector<1x16xf32> to vector<16xf32>
        %mul3A_87 = arith.mulf %get3A_82, %get3A_86 : vector<16xf32>
        %swap3A_88 = arith.index_cast %scan3A_24 : i32 to index
        %swap3A_89 = arith.constant 64 : index
        %swap3A_90 = tpu.vector_load %arg10[%swap3A_88, %swap3A_89] {strides = array<i32>} : memref<128x128xf32, #tpu.memory_space<vmem>>, vector<1x16xf32>,
        %swap3A_91 = vector.shape_cast %swap3A_90 : vector<1x16xf32> to vector<16xf32>
        %swap3A_92 = vector.shape_cast %mul3A_87 : vector<16xf32> to vector<1x16xf32>
        tpu.vector_store %arg10[%swap3A_88, %swap3A_89], %swap3A_92 {strides = array<i32>} : memref<128x128xf32, #tpu.memory_space<vmem>>, vector<1x16xf32>,
        %get3A_93 = arith.index_cast %scan3A_24 : i32 to index
        %get3A_94 = arith.constant 80 : index
        %get3A_95 = tpu.vector_load %arg9[%get3A_93, %get3A_94] {strides = array<i32>} : memref<128x128xf32, #tpu.memory_space<vmem>>, vector<1x16xf32>,
        %get3A_96 = vector.shape_cast %get3A_95 : vector<1x16xf32> to vector<16xf32>
        %get3A_97 = arith.index_cast %scan3A_24 : i32 to index
        %get3A_98 = arith.constant 80 : index
        %get3A_99 = tpu.vector_load %arg8[%get3A_97, %get3A_98] {strides = array<i32>} : memref<128x128xf32, #tpu.memory_space<vmem>>, vector<1x16xf32>,
        %get3A_100 = vector.shape_cast %get3A_99 : vector<1x16xf32> to vector<16xf32>
        %mul3A_101 = arith.mulf %get3A_96, %get3A_100 : vector<16xf32>
        %swap3A_102 = arith.index_cast %scan3A_24 : i32 to index
        %swap3A_103 = arith.constant 80 : index
        %swap3A_104 = tpu.vector_load %arg10[%swap3A_102, %swap3A_103] {strides = array<i32>} : memref<128x128xf32, #tpu.memory_space<vmem>>, vector<1x16xf32>,
        %swap3A_105 = vector.shape_cast %swap3A_104 : vector<1x16xf32> to vector<16xf32>
        %swap3A_106 = vector.shape_cast %mul3A_101 : vector<16xf32> to vector<1x16xf32>
        tpu.vector_store %arg10[%swap3A_102, %swap3A_103], %swap3A_106 {strides = array<i32>} : memref<128x128xf32, #tpu.memory_space<vmem>>, vector<1x16xf32>,
        %get3A_107 = arith.index_cast %scan3A_24 : i32 to index
        %get3A_108 = arith.constant 96 : index
        %get3A_109 = tpu.vector_load %arg9[%get3A_107, %get3A_108] {strides = array<i32>} : memref<128x128xf32, #tpu.memory_space<vmem>>, vector<1x16xf32>,
        %get3A_110 = vector.shape_cast %get3A_109 : vector<1x16xf32> to vector<16xf32>
        %get3A_111 = arith.index_cast %scan3A_24 : i32 to index
        %get3A_112 = arith.constant 96 : index
        %get3A_113 = tpu.vector_load %arg8[%get3A_111, %get3A_112] {strides = array<i32>} : memref<128x128xf32, #tpu.memory_space<vmem>>, vector<1x16xf32>,
        %get3A_114 = vector.shape_cast %get3A_113 : vector<1x16xf32> to vector<16xf32>
        %mul3A_115 = arith.mulf %get3A_110, %get3A_114 : vector<16xf32>
        %swap3A_116 = arith.index_cast %scan3A_24 : i32 to index
        %swap3A_117 = arith.constant 96 : index
        %swap3A_118 = tpu.vector_load %arg10[%swap3A_116, %swap3A_117] {strides = array<i32>} : memref<128x128xf32, #tpu.memory_space<vmem>>, vector<1x16xf32>,
        %swap3A_119 = vector.shape_cast %swap3A_118 : vector<1x16xf32> to vector<16xf32>
        %swap3A_120 = vector.shape_cast %mul3A_115 : vector<16xf32> to vector<1x16xf32>
        tpu.vector_store %arg10[%swap3A_116, %swap3A_117], %swap3A_120 {strides = array<i32>} : memref<128x128xf32, #tpu.memory_space<vmem>>, vector<1x16xf32>,
        %get3A_121 = arith.index_cast %scan3A_24 : i32 to index
        %get3A_122 = arith.constant 112 : index
        %get3A_123 = tpu.vector_load %arg9[%get3A_121, %get3A_122] {strides = array<i32>} : memref<128x128xf32, #tpu.memory_space<vmem>>, vector<1x16xf32>,
        %get3A_124 = vector.shape_cast %get3A_123 : vector<1x16xf32> to vector<16xf32>
        %get3A_125 = arith.index_cast %scan3A_24 : i32 to index
        %get3A_126 = arith.constant 112 : index
        %get3A_127 = tpu.vector_load %arg8[%get3A_125, %get3A_126] {strides = array<i32>} : memref<128x128xf32, #tpu.memory_space<vmem>>, vector<1x16xf32>,
        %get3A_128 = vector.shape_cast %get3A_127 : vector<1x16xf32> to vector<16xf32>
        %mul3A_129 = arith.mulf %get3A_124, %get3A_128 : vector<16xf32>
        %swap3A_130 = arith.index_cast %scan3A_24 : i32 to index
        %swap3A_131 = arith.constant 112 : index
        %swap3A_132 = tpu.vector_load %arg10[%swap3A_130, %swap3A_131] {strides = array<i32>} : memref<128x128xf32, #tpu.memory_space<vmem>>, vector<1x16xf32>,
        %swap3A_133 = vector.shape_cast %swap3A_132 : vector<1x16xf32> to vector<16xf32>
        %swap3A_134 = vector.shape_cast %mul3A_129 : vector<16xf32> to vector<1x16xf32>
        tpu.vector_store %arg10[%swap3A_130, %swap3A_131], %swap3A_134 {strides = array<i32>} : memref<128x128xf32, #tpu.memory_space<vmem>>, vector<1x16xf32>,
      }
      %scan3A_23 = arith.constant 128 : i32
      "tpu.region"() ({
        %run_scoped3A = tpu.sem_alloc : memref<!tpu.dma_semaphore, #tpu.memory_space<semaphore_mem>>
        %dma_start3A_24 = arith.constant 0 : i32
        %dma_start3A_25 = tpu.memref_slice %arg5[%add3A_13, %dma_start3A_24] : memref<819200x128xf32, #tpu.memory_space<hbm>> -> memref<128x128xf32, #tpu.memory_space<hbm>>
        %dma_start3A_26 = arith.constant 0 : i32
        %dma_start3A_27 = tpu.memref_slice %arg5[%add3A_13, %dma_start3A_26] : memref<819200x128xf32, #tpu.memory_space<hbm>> -> memref<128x128xf32, #tpu.memory_space<hbm>>
        tpu.enqueue_dma source(%arg10 : memref<128x128xf32, #tpu.memory_space<vmem>>) target(%dma_start3A_27 : memref<128x128xf32, #tpu.memory_space<hbm>>) target_semaphore(%run_scoped3A : memref<!tpu.dma_semaphore, #tpu.memory_space<semaphore_mem>>)
        %dma_wait3A_28 = arith.constant 0 : i32
        %dma_wait3A_29 = tpu.memref_slice %arg5[%add3A_13, %dma_wait3A_28] : memref<819200x128xf32, #tpu.memory_space<hbm>> -> memref<128x128xf32, #tpu.memory_space<hbm>>
        %dma_wait3A_30 = arith.constant 0 : i32
        %dma_wait3A_31 = tpu.memref_slice %arg5[%add3A_13, %dma_wait3A_30] : memref<819200x128xf32, #tpu.memory_space<hbm>> -> memref<128x128xf32, #tpu.memory_space<hbm>>
        tpu.wait_dma2 semaphore(%run_scoped3A : memref<!tpu.dma_semaphore, #tpu.memory_space<semaphore_mem>>) src(%arg10 : memref<128x128xf32, #tpu.memory_space<vmem>>) dst(%dma_wait3A_31 : memref<128x128xf32, #tpu.memory_space<hbm>>)
        tpu.yield
      }) : () -> ()
    }
    %scan3A_7 = arith.constant 200 : i32
    return
  }
}

</mosaic_0001>

<sc_bundles>
// kernel: kernel.3.cloned.1.call-start
scs
__scs_entry_jumppad:
0x0: {  	(pc) =	sbr.rel $0x88, $3  }
0x1: {  	(tag) =	ssettag $0x0;
	lr =	simm.s32 $0x1  }
0x2: {  	[smem:$0x3F9E] =	sst lr;
	_ =	strace $0xD0000000  }
0x3: {  	_ = 	snop  }
0x4: {  	_ = 	snop  }
0x5: {  	_ = 	snop  }
0x6: {  	_ = 	snop  }
0x7: {  	_ = 	snop  }
__scs_overlays_trampoline_lowered:
0x8: {  	[smem:$0x3FAD] =	sst s0  }
0x9: {  	[smem:$0x3FAE] =	sst s1  }
0xa: {  	[smem:$0x3FAF] =	sst s2  }
0xb: {  	[smem:$0x3FB0] =	sst s3  }
0xc: {  	[smem:$0x3FB1] =	sst s4  }
0xd: {  	[smem:$0x3FB2] =	sst s5  }
0xe: {  	[smem:$0x3FB3] =	sst s6  }
0xf: {  	[smem:$0x3FB4] =	sst s7  }
0x10: {  	[smem:$0x3FB5] =	sst s8  }
0x11: {  	[smem:$0x3FB6] =	sst s9;
	s0 =	simm.s32 @!p0 $0x0  }
0x12: {  	s1 =	sld [smem:$0x3F9C];
	s0 =	simm.s32 @p0 $0x1  }
0x13: {  	[smem:$0x3FB7] =	sst s0;
	s0 =	simm.s32 @!p1 $0x0  }
0x14: {  	s2 =	sld [smem:$0x3F9B];
	s0 =	simm.s32 @p1 $0x1  }
0x15: {  	[smem:$0x3FB8] =	sst s0;
	s0 =	simm.s32 @!p2 $0x0  }
0x16: {  	s3 =	sld [smem:$0x3FDB];
	s0 =	simm.s32 @p2 $0x1  }
0x17: {  	s4 =	simm.s32 $0x1BF5;
	[smem:$0x3FBA] =	sst s0  }
0x18: {  	s0 =	sld [smem:$0x3F9D];
	_ =	swait.ge [sflag:s4], $0x0  }
0x19: {  	s7 =	sld [smem:$0x3F9E]  }
0x1a: {  	s8 =	sadd.s32 $0xFFFFE003, lr  }
0x1b: {  	s9 =	sadd.s32 $0xFFFFFEF7, lr;
	s5 =	simm.s32 $0xFFFFFFFF;
	p2 =	slt.u32 s8, $0xFFFFF086  }
0x1c: {  	p1 =	slt.u32 s9, $0xF7A;
	s5 =	simm.s32 @!p2 $0x0  }
0x1d: {  	s5 =	simm.s32 @p1 $0x1;
	p0 =	seq.s32 s7, s2  }
0x1e: {  	s7 =	smul.u32 @!p0 $0xF7A, s2;
	p2 =	seq.s32 @!p0 s5, $0x0  }
0x1f: {  	s9 =	smul.u32 $0xF7A, s1;
	s8 =	simm.s32 @!p0 $0x1BF5;
	p2 =	por !p2, p0  }
0x20: {  	[sflag:s8] =	ssyncset.s32 @!p0 $0xFFFFF086;
	s6 =	sadd.s32 @!p0 s3, s7;
	s7 =	simm.s32 @!p0 $0x108  }
0x21: {  	s3 =	sadd.s32 s3, s9;
	s6 =	sadd.s32 @!p0 $0x88, s6;
	s7 =	simm.s32 @p2 $0x1082  }
0x22: {  	[simem:s7], [sflag:s8] =	dma.local @!p0 [hbm:s6], $0xF7A  }
0x23: {  	s9 =	sor.u32 $0xD0000000, s2;
	s6 =	simm.s32 $0x108;
	_ =	swait.ge @!p0 [sflag:s8], $0x0  }
0x24: {  	s3 =	sadd.s32 $0x88, s3;
	s6 =	simm.s32 @!p1 $0x1082;
	[sflag:s4] =	ssyncset.s32 $0xFFFFF086  }
0x25: {  	[simem:s6], [sflag:s4] =	dma.local [hbm:s3], $0xF7A  }
0x26: {  	[smem:$0x3F9E] =	sst s1;
	(tag) =	ssettag s2;
	_ =	strace s9  }
0x27: {  	s1 =	sld [smem:$0x3FAE]  }
0x28: {  	s2 =	sld [smem:$0x3FAF]  }
0x29: {  	s4 =	sld [smem:$0x3FB1]  }
0x2a: {  	p0 =	seq.s32 s5, $0x0;
	s5 =	sld [smem:$0x3FB2]  }
0x2b: {  	s6 =	sld [smem:$0x3FB3]  }
0x2c: {  	s7 =	sld [smem:$0x3FB4]  }
0x2d: {  	s3 =	simm.s32 $0x108;
	s8 =	sld [smem:$0x3FB5]  }
0x2e: {  	s3 =	simm.s32 @!p0 $0x1082;
	s9 =	sld [smem:$0x3FB6]  }
0x2f: {  	lr =	sadd.s32 s0, s3;
	s0 =	sld [smem:$0x3FAD]  }
0x30: {  	s3 =	sld [smem:$0x3FB0]  }
0x31: {  	[smem:$0x3FB9] =	sst s10  }
0x32: {  	s10 =	sld [smem:$0x3FB7];
	_ =	sdelay $0x3  }
0x33: {  	p0 =	seq.s32 s10, $0x1;
	s10 =	sld [smem:$0x3FB9];
	_ =	sdelay $0x3  }
0x34: {  	[smem:$0x3FB9] =	sst s10  }
0x35: {  	s10 =	sld [smem:$0x3FB8];
	_ =	sdelay $0x3  }
0x36: {  	p1 =	seq.s32 s10, $0x1;
	s10 =	sld [smem:$0x3FB9];
	_ =	sdelay $0x3  }
0x37: {  	[smem:$0x3FB9] =	sst s10  }
0x38: {  	s10 =	sld [smem:$0x3FBA]  }
0x39: {  	_ = 	snop;
	(pc) =	sbr.ind lr, $3  }
0x3a: {  	_ = 	snop  }
0x3b: {  	_ = 	snop  }
0x3c: {  	p2 =	seq.s32 s10, $0x1;
	s10 =	sld [smem:$0x3FB9]  }
0x3d: {  	_ =	shalt  }
0x3e: {  	_ =	shalt  }
0x3f: {  	_ =	shalt  }
0x40: {  	_ =	shalt  }
0x41: {  	_ =	shalt  }
0x42: {  	_ =	shalt  }
0x43: {  	_ =	shalt  }
0x44: {  	_ =	shalt  }
0x45: {  	_ =	shalt  }
0x46: {  	_ =	shalt  }
0x47: {  	_ =	shalt  }
0x48: {  	_ =	shalt  }
0x49: {  	_ =	shalt  }
0x4a: {  	_ =	shalt  }
0x4b: {  	_ =	shalt  }
0x4c: {  	_ =	shalt  }
0x4d: {  	_ =	shalt  }
0x4e: {  	_ =	shalt  }
0x4f: {  	_ =	shalt  }
0x50: {  	_ =	shalt  }
0x51: {  	_ =	shalt  }
0x52: {  	_ =	shalt  }
0x53: {  	_ =	shalt  }
0x54: {  	_ =	shalt  }
0x55: {  	_ =	shalt  }
0x56: {  	_ =	shalt  }
0x57: {  	_ =	shalt  }
0x58: {  	_ =	shalt  }
0x59: {  	_ =	shalt  }
0x5a: {  	_ =	shalt  }
0x5b: {  	_ =	shalt  }
0x5c: {  	_ =	shalt  }
0x5d: {  	_ =	shalt  }
0x5e: {  	_ =	shalt  }
0x5f: {  	_ =	shalt  }
0x60: {  	_ =	shalt  }
0x61: {  	_ =	shalt  }
0x62: {  	_ =	shalt  }
0x63: {  	_ =	shalt  }
0x64: {  	_ =	shalt  }
0x65: {  	_ =	shalt  }
0x66: {  	_ =	shalt  }
0x67: {  	_ =	shalt  }
0x68: {  	_ =	shalt  }
0x69: {  	_ =	shalt  }
0x6a: {  	_ =	shalt  }
0x6b: {  	_ =	shalt  }
0x6c: {  	_ =	shalt  }
0x6d: {  	_ =	shalt  }
0x6e: {  	_ =	shalt  }
0x6f: {  	_ =	shalt  }
0x70: {  	_ =	shalt  }
0x71: {  	_ =	shalt  }
0x72: {  	_ =	shalt  }
0x73: {  	_ =	shalt  }
0x74: {  	_ =	shalt  }
0x75: {  	_ =	shalt  }
0x76: {  	_ =	shalt  }
0x77: {  	_ =	shalt  }
0x78: {  	_ =	shalt  }
0x79: {  	_ =	shalt  }
0x7a: {  	_ =	shalt  }
0x7b: {  	_ =	shalt  }
0x7c: {  	_ =	shalt  }
0x7d: {  	_ =	shalt  }
0x7e: {  	_ =	shalt  }
0x7f: {  	_ =	shalt  }
0x80: {  	_ =	shalt  }
0x81: {  	_ =	shalt  }
0x82: {  	_ =	shalt  }
0x83: {  	_ =	shalt  }
0x84: {  	_ =	shalt  }
0x85: {  	_ =	shalt  }
0x86: {  	_ =	shalt  }
0x87: {  	_ =	shalt  }
.Lfunc_end0:
.L_simem_size_0:
called_computation_lowered:
.L_overlay_start_0:
0x88: {  	s2 =	sld [smem:$0x3FD9]  }
0x89: {  	s3 =	sld [smem:$0x3FFE];
	_ =	sdelay $0x1  }
0x8a: {  	s1 =	srdreg.scid  }
0x8b: {  	s0 =	sand.u32 $0x1, s1  }
0x8c: {  	s17 =	sshll.u32 s0, $0xA;
	s2 =	sadd.s32 s3, s2  }
0x8d: {  	s2 =	sadd.s32 s2, s17  }
0x8e: {  	[smem:$0x3FC5] =	sst s2  }
0x8f: {  	_ = 	snop  }
0x90: {  	s2 =	sld [smem:$0x3FC8]  }
0x91: {  	s18 =	sld [smem:$0x3FC7]  }
0x92: {  	s4 =	sld [smem:$0x3FD0];
	(tm) =	ssettm $0x1  }
0x93: {  	s5 =	sld [smem:$0x3FFB];
	_ =	sdelay $0x3  }
0x94: {  	_ =	strace s5  }
0x95: {  	s5 =	sld [smem:$0x3FFC];
	_ =	sdelay $0x3  }
0x96: {  	_ =	strace s5  }
0x97: {  	s5 =	sld [smem:$0x3FFD];
	_ =	sdelay $0x3  }
0x98: {  	_ =	strace s5  }
0x99: {  	_ =	strace $0x8FFFFFFF  }
0x9a: {  	s19 =	sld [smem:$0x3FDB];
	_ =	sdelay $0x1  }
0x9b: {  	s6 =	simm.s32 $_scs_section_size  }
0x9c: {  	s7 =	simm.s32 $_size__tile_overlayer_lowered;
	s8 =	simm.s32 $_tile_overlayer_lowered  }
0x9d: {  	s22 =	simm.s32 $0x1BFF;
	s21 =	sshll.u32 s8, $0x1;
	s5 =	sadd.s32 s6, s19  }
0x9e: {  	s9 =	simm.s32 $0x0;
	s20 =	sshll.u32 s7, $0x1;
	s7 =	sadd.s32 s21, s5  }
0x9f: {  	[timem:s9], [sflag:s22] =	dma.local [hbm:s7], s20  }
0xa0: {  	_ =	swait.ge [sflag:s22], s20  }
0xa1: {  	s6 =	ssub.s32 $0x0, s20;
	[sflag:s22] =	ssyncset.done $0x0  }
0xa2: {  	[sflag:s22] =	ssyncadd.s32 s6;
	_ =	sdelay $0x1  }
0xa3: {  	s23 =	simm.s32 $0x1B8B  }
0xa4: {  	_ =	swait.ge [sflag:s23], $0x1  }
0xa5: {  	[sflag:s23] =	ssyncset.done $0x0  }
0xa6: {  	s25 =	simm.s32 $0x1B8E;
	s24 =	sld [smem:$0x3FFE];
	[sflag:s23] =	ssyncadd.s32 $0xFFFFFFFF  }
0xa7: {  	s26 =	simm.s32 $execute0_lowered;
	[smem:$0x3FD2] =	sst s25  }
0xa8: {  	s7 =	sshll.u32 s26, $0x1;
	_ =	strace $0x80000046;
	[dreg:$0x1] =	wrdreg $0xFFFFFFFF  }
0xa9: {  	s28 =	simm.s32 $_size_execute0_lowered;
	s5 =	sadd.s32 s5, s7;
	[dreg:$0x0] =	wrdreg $0x0  }
0xaa: {  	s7 =	sshll.u32 s28, $0x1;
	[dreg:$0x2] =	wrdreg s5  }
0xab: {  	[dreg:$0x3] =	wrdreg s7  }
0xac: {  	[dreg:$0x4] =	wrdreg $0xC0  }
0xad: {  	_ =	task [dreg:s9], $0x5FFFF  }
0xae: {  	[dreg:$0x1] =	wrdreg $0xFFFFFFFF  }
0xaf: {  	[dreg:$0x0] =	wrdreg $0x60  }
0xb0: {  	[dreg:$0x2] =	wrdreg s24  }
0xb1: {  	[dreg:$0x3] =	wrdreg s2  }
0xb2: {  	[dreg:$0x4] =	wrdreg s18  }
0xb3: {  	[dreg:$0x5] =	wrdreg s4  }
0xb4: {  	[dreg:$0x6] =	wrdreg $0x0  }
0xb5: {  	[dreg:$0x7] =	wrdreg $0x9  }
0xb6: {  	_ =	task.clear_ibuf [dreg:s9], $0x8FFFF;
	_ =	strace $0x90000046  }
0xb7: {  	s29 =	simm.s32 $0x9;
	_ =	strace $0x80000048  }
0xb8: {  	_ =	swait.ge [sflag:s29], $0x1  }
0xb9: {  	[sflag:s29] =	ssyncadd.s32 $0xFFFFFFFF  }
0xba: {  	_ =	strace $0x90000048  }
0xbb: {  	_ =	sfence  }
0xbc: {  	s30 =	sld [smem:$0x0];
	_ =	sdelay $0x2  }
0xbd: {  	s31 =	sshll.u32 s1, $0xD;
	s1 =	sshrl.u32 s1, $0x2  }
0xbe: {  	s3 =	sand.u32 $0x4000, s31;
	s1 =	sadd.s32 s1, s30  }
0xbf: {  	s0 =	sor.u32 s3, s0;
	s1 =	sshll.u32 s1, $0x11  }
0xc0: {  	s0 =	sor.u32 s1, s0  }
0xc1: {  	s0 =	sadd.s32 $0x8F2B, s0  }
0xc2: {  	[sflag:s0] =	ssyncadd.remote.s32 $0x1  }
0xc3: {  	_ =	sfence.sel $0xFFFF  }
0xc4: {  	[dreg:$0x0] =	wrdreg $0xFFFFFFFF;
	(pc) =	sbr.abs _section_cstart, $3  }
0xc5: {  	[dreg:$0x1] =	wrdreg $0xFFFFFFFF  }
0xc6: {  	_ =	task.clear_ibuf [dreg:s9], $0x2FFFF;
	_ =	strace $0x9FFFFFFF  }
0xc7: {  	(tm) =	ssettm $0x7FFFFFFF  }
tec
execute0_lowered:
.L_overlay_start_1:
0x0: {  	(tag) =	ssettag $0x1  }
0x1: {  	s6 =	rddreg [dreg:$0x0]  }
0x2: {  	s1 =	rddreg [dreg:$0x1]  }
0x3: {  	s2 =	rddreg [dreg:$0x2]  }
0x4: {  	s3 =	rddreg [dreg:$0x3]  }
0x5: {  	s4 =	rddreg [dreg:$0x4];
	s7 =	srdreg.scid  }
0x6: {  	s0 =	rddreg [dreg:$0x5];
	s5 =	simm.s32 $0x0;
	s9 =	stileid.u32  }
0x7: {  	s12 =	simm.s32 $0x80;
	s13 =	simm.s32 $0x4280;
	s14 =	simm.s32 $0x280  }
0x8: {  	s15 =	simm.s32 $0x1;
	s16 =	simm.s32 $0x8280;
	s17 =	simm.s32 $0x0  }
0x9: {  	s7 =	sand.u32 $0x1, s7;
	[smem:$0x7FF] =	sst s5;
	s11 =	sshll.u32 s9, $0x1  }
0xa: {  	s6 =	sadd.s32 $0x400, s6;
	p0 =	sne.s32 s9, $0x0;
	s8 =	ssub.s32 $0x2, s7  }
0xb: {  	_ =	strace $0x80000047;
	s7 =	sor.u32 s7, s11;
	s10 =	sshrl.u32 s8, $0x1  }
0xc: {  	s9 =	sshrl.u32 @!p0 s4, $0x3;
	s11 =	simm.s32 $0x2;
	s8 =	ssub.s32 s8, s10  }
0xd: {  	s7 =	smul.u32 $0x6400, s7;
	s10 =	simm.s32 $0x200;
	s8 =	smax.u32 s8, $0x1  }
.LBB2_1:
0xe: {  	s18 =	simm.s32 @!p0 $0x1C02  }
0xf: {  	[spmem:s9], [sflag:s18] =	dma.local @!p0 [hbm:s2], $0x400  }
0x10: {  	s18 =	simm.s32 @!p0 $0x2  }
0x11: {  	_ =	swait.ge @!p0 [sflag:s18], $0x400  }
0x12: {  	[sflag:s18] =	ssyncset.done @!p0 $0x0  }
0x13: {  	[sflag:s18] =	ssyncadd.s32 @!p0 $0xFFFFFC00  }
0x14: {  	s18 =	simm.s32 $0x0;
	[bflag:$0x0] =	sbarrier.arrive $0xFFFF  }
.LBB2_2:
0x15: {  	s19 =	sshll.u32 s18, $0x7  }
0x16: {  	s19 =	sadd.s32 s7, s19  }
0x17: {  	s20 =	sshrl.u32 s19, $0x3  }
0x18: {  	s21 =	simm.s32 $0x0;
	s20 =	sadd.s32 s6, s20  }
0x19: {  	[tilespmem:s10], [sflag:$0x2] =	stream.linear.gather [hbm4b:s20+s21], $0x80, $0x38;
	[tilespmem:$0xC280] =	vst v63  }
0x1a: {  	_ =	swait.ge [sflag:s11], $0x80  }
0x1b: {  	[sflag:s11] =	ssyncset.done $0x0  }
0x1c: {  	s19 =	sshll.u32 s19, $0x4;
	[sflag:s11] =	ssyncadd.s32 $0xFFFFFF80  }
0x1d: {  	[tilespmem:s13], [sflag:$0x1] =	stream.indirect.gather [spmem:s4], $0x80, s10, s12, $0xb8;
	[tilespmem:$0xC280] =	vst v63  }
0x1e: {  	s31 =	sadd.s32 s1, s19  }
0x1f: {  	[tilespmem:s14], [sflag:$0x2] =	stream.linear.gather [hbm4b:s31+s21], $0x4000, $0x38;
	[tilespmem:$0xC280] =	vst v63  }
0x20: {  	_ =	swait.ge [sflag:s11], $0x4000  }
0x21: {  	[sflag:s11] =	ssyncset.done $0x0  }
0x22: {  	[sflag:s11] =	ssyncadd.s32 $0xFFFFC000  }
0x23: {  	_ =	swait.ge [sflag:s15], $0x4000  }
0x24: {  	[sflag:s15] =	ssyncset.done $0x0  }
0x25: {  	s20 =	simm.s32 $0x0;
	[sflag:s15] =	ssyncadd.s32 $0xFFFFC000  }
0x26: {  	v0 =	vld [tilespmem:s20+$0x42F0]  }
0x27: {  	v1 =	vld [tilespmem:s20+$0x2F0]  }
0x28: {  	v2 =	vld [tilespmem:s20+$0x4280]  }
0x29: {  	v3 =	vld [tilespmem:s20+$0x280]  }
0x2a: {  	v4 =	vld [tilespmem:s20+$0x4290]  }
0x2b: {  	v5 =	vld [tilespmem:s20+$0x290]  }
0x2c: {  	v6 =	vld [tilespmem:s20+$0x42A0]  }
0x2d: {  	v7 =	vld [tilespmem:s20+$0x42B0]  }
0x2e: {  	v0 =	vmul.f32 v1, v0;
	v1 =	vld [tilespmem:s20+$0x2A0]  }
0x2f: {  	v8 =	vld [tilespmem:s20+$0x2B0]  }
0x30: {  	v9 =	vld [tilespmem:s20+$0x2C0];
	v2 =	vmul.f32 v3, v2  }
0x31: {  	[tilespmem:s20+$0x82F0] =	vst v0;
	v0 =	vmul.f32 v5, v4;
	v5 =	vld [tilespmem:s20+$0x42C0]  }
0x32: {  	v3 =	vld [tilespmem:s20+$0x2D0];
	[tilespmem:s20+$0x8280] =	vst v2  }
0x33: {  	v2 =	vld [tilespmem:s20+$0x42D0];
	[tilespmem:s20+$0x8290] =	vst v0;
	v0 =	vmul.f32 v1, v6  }
0x34: {  	v4 =	vld [tilespmem:s20+$0x2E0];
	v6 =	vmul.f32 v8, v7  }
0x35: {  	s21 =	simm.s32 $0x80;
	[tilespmem:s20+$0x82A0] =	vst v0;
	v0 =	vld [tilespmem:s20+$0x42E0]  }
0x36: {  	s22 =	simm.s32 $0x400;
	v5 =	vmul.f32 v9, v5;
	v1 =	vld [tilespmem:s21+$0x42F0];
	[tilespmem:s20+$0x82B0] =	vst v6  }
.LBB2_3:
0x37: {  	p1 =	sne.s32 s22, $0xFE00;
	v6 =	vld [tilespmem:s21+$0x2F0]  }
0x38: {  	v7 =	vld [tilespmem:s21+$0x4280];
	[tilespmem:s20+$0x82C0] =	vst v5;
	v2 =	vmul.f32 v3, v2  }
0x39: {  	v3 =	vld [tilespmem:s21+$0x280]  }
0x3a: {  	v5 =	vld [tilespmem:s21+$0x4290];
	[tilespmem:s20+$0x82D0] =	vst v2;
	v0 =	vmul.f32 v4, v0  }
0x3b: {  	v2 =	vld [tilespmem:s21+$0x290]  }
0x3c: {  	v4 =	vld [tilespmem:s21+$0x42A0];
	v1 =	vmul.f32 v6, v1;
	[tilespmem:s20+$0x82E0] =	vst v0;
	s20 =	smov.u32 s21  }
0x3d: {  	v0 =	vld [tilespmem:s20+$0x2A0]  }
0x3e: {  	v3 =	vmul.f32 v3, v7;
	v6 =	vld [tilespmem:s20+$0x42B0];
	[tilespmem:s20+$0x82F0] =	vst v1  }
0x3f: {  	v1 =	vld [tilespmem:s20+$0x2B0]  }
0x40: {  	[tilespmem:s20+$0x8280] =	vst v3;
	v2 =	vmul.f32 v2, v5;
	v5 =	vld [tilespmem:s20+$0x42C0]  }
0x41: {  	v7 =	vld [tilespmem:s20+$0x2C0]  }
.Ltmp0:
0x42: {  	[tilespmem:s20+$0x8290] =	vst v2;
	v0 =	vmul.f32 v0, v4;
	v2 =	vld [tilespmem:s20+$0x42D0];
	(pc) =	sbr.rel @p1 .LBB2_3-.Ltmp0, $4  }
0x43: {  	v3 =	vld [tilespmem:s20+$0x2D0]  }
0x44: {  	[tilespmem:s20+$0x82A0] =	vst v0;
	v6 =	vmul.f32 v1, v6;
	v0 =	vld [tilespmem:s20+$0x42E0]  }
0x45: {  	s21 =	sshra.s32 s22, $0x2;
	v4 =	vld [tilespmem:s20+$0x2E0]  }
0x46: {  	s22 =	sadd.s32 $0x200, s22;
	v1 =	vld [tilespmem:s21+$0x42F0];
	[tilespmem:s20+$0x82B0] =	vst v6;
	v5 =	vmul.f32 v7, v5  }
0x47: {  	v6 =	vld [tilespmem:s21+$0x2F0]  }
0x48: {  	v7 =	vld [tilespmem:s21+$0x4280];
	[tilespmem:s20+$0x82C0] =	vst v5;
	v2 =	vmul.f32 v3, v2  }
0x49: {  	v51 =	vld [tilespmem:s21+$0x280]  }
0x4a: {  	v5 =	vld [tilespmem:s21+$0x4290];
	[tilespmem:s20+$0x82D0] =	vst v2;
	v0 =	vmul.f32 v4, v0  }
0x4b: {  	v2 =	vld [tilespmem:s21+$0x290]  }
0x4c: {  	v52 =	vld [tilespmem:s21+$0x42A0];
	[tilespmem:s20+$0x82E0] =	vst v0  }
0x4d: {  	v54 =	vld [tilespmem:s21+$0x2A0]  }
0x4e: {  	v55 =	vld [tilespmem:s21+$0x42B0]  }
0x4f: {  	v56 =	vld [tilespmem:s21+$0x2B0]  }
0x50: {  	v57 =	vld [tilespmem:s21+$0x42C0]  }
0x51: {  	v58 =	vld [tilespmem:s21+$0x2C0]  }
0x52: {  	v59 =	vld [tilespmem:s21+$0x42D0]  }
0x53: {  	v53 =	vmul.f32 v6, v1;
	v60 =	vld [tilespmem:s21+$0x2D0]  }
0x54: {  	v61 =	vld [tilespmem:s21+$0x42E0];
	v3 =	vmul.f32 v51, v7  }
0x55: {  	v62 =	vld [tilespmem:s21+$0x2E0];
	[tilespmem:s21+$0x82F0] =	vst v53;
	v2 =	vmul.f32 v2, v5  }
0x56: {  	[tilespmem:s21+$0x8280] =	vst v3;
	v1 =	vmul.f32 v54, v52  }
0x57: {  	[tilespmem:s21+$0x8290] =	vst v2;
	v0 =	vmul.f32 v56, v55  }
0x58: {  	v3 =	vmul.f32 v58, v57;
	[tilespmem:s21+$0x82A0] =	vst v1  }
0x59: {  	v63 =	vmul.f32 v60, v59;
	[tilespmem:s21+$0x82B0] =	vst v0  }
0x5a: {  	s18 =	sadd.s32 $0x1, s18;
	[tilespmem:s21+$0x82C0] =	vst v3;
	v1 =	vmul.f32 v62, v61  }
0x5b: {  	p1 =	sne.s32 s18, $0xC8;
	[tilespmem:s21+$0x82D0] =	vst v63  }
.Ltmp1:
0x5c: {  	s19 =	sadd.s32 s3, s19;
	[tilespmem:s21+$0x82E0] =	vst v1;
	(pc) =	sbr.rel @p1 .LBB2_2-.Ltmp1, $4  }
0x5d: {  	[hbm4b:s19+s5] =	stream.linear.scatter [tilespmem:s16], [sflag:$0x2], $0x4000, $0x38;
	[tilespmem:$0xC280] =	vst v63  }
0x5e: {  	_ =	swait.ge [sflag:s11], $0x4000  }
0x5f: {  	[sflag:s11] =	ssyncset.done $0x0  }
0x60: {  	[sflag:s11] =	ssyncadd.s32 $0xFFFFC000  }
0x61: {  	s17 =	sadd.s32 $0x1, s17  }
0x62: {  	p1 =	sne.s32 s17, s8  }
.Ltmp2:
0x63: {  	_ = 	snop;
	(pc) =	sbr.rel @p1 .LBB2_1-.Ltmp2, $1  }
0x64: {  	_ =	sdelay $0x3  }
0x65: {  	_ =	sfence.sel $0x180000  }
0x66: {  	[bflag:$0x0] =	sbarrier.arrive $0xFFFF  }
0x67: {  	_ =	strace $0x90000047  }
0x68: {  	s0 =	sadd.s32 @!p0 $0x100000, s0;
	[bflag:$0x2] =	sbarrier.arrive $0xFFFF  }
0x69: {  	[sflag:s0] =	ssyncadd.tile.s32 @!p0 $0x1;
	_ =	shalt  }
.Lfunc_end2:
_tile_overlayer_lowered:
.L_overlay_start_2:
0x6a: {  	(tag) =	ssettag $0x2  }
0x6b: {  	s0 =	rddreg [dreg:$0x0];
	s2 =	stileid.u32  }
0x6c: {  	s1 =	rddreg [dreg:$0x1];
	p0 =	sne.s32 s2, $0x0  }
0x6d: {  	s3 =	rddreg [dreg:$0x2];
	[bflag:$0x3] =	sbarrier.arrive $0xFFFF;
	s2 =	simm.s32 @!p0 $0x1C02  }
0x6e: {  	[timem:s3], [sflag:s2] =	dma.local @!p0 [hbm:s0], s1  }
0x6f: {  	s0 =	simm.s32 @!p0 $0x2  }
0x70: {  	_ =	swait.ge @!p0 [sflag:s0], s1  }
0x71: {  	s1 =	ssub.s32 @!p0 $0x0, s1;
	[sflag:s0] =	ssyncset.done @!p0 $0x0  }
0x72: {  	[sflag:s0] =	ssyncadd.s32 @!p0 s1  }
0x73: {  	[bflag:$0x3] =	sbarrier.arrive $0xFFFF  }
0x74: {  	_ =	shalt  }

</sc_bundles>
